<compile_context>
chip_gen: v7x
topology: tpu7x:2x2x1
jax: 0.10.2.dev20260603
libtpu: 0.0.44.dev20260713+nightly
codegen_flags: <defaults>
</compile_context>

<pallas_src>
import functools

import jax
import jax.numpy as jnp
from jax import lax
from jax.experimental import pallas as pl
from jax.experimental.pallas import tpu as pltpu
from jax.experimental.pallas import tpu_sc as plsc

BS, T, PN = 64, 1024, 32
EMB = 32
VOCAB = 21
N = BS * T * PN
NC, NS = 2, 16
NW = NC * NS
N_W = N // NW
CHUNK = 1024
NCHUNK = N_W // CHUNK
NPAIR = NCHUNK // 2

_mesh = plsc.VectorSubcoreMesh(
    core_axis_name="c", subcore_axis_name="s", num_cores=NC, num_subcores=NS
)


@functools.partial(
    pl.kernel,
    out_type=jax.ShapeDtypeStruct((N, EMB), jnp.float32),
    mesh=_mesh,
    scratch_types=[
        pltpu.VMEM_SHARED((VOCAB, EMB), jnp.float32),
        pltpu.VMEM((2, CHUNK), jnp.int32),
        pltpu.VMEM((2 * CHUNK, EMB), jnp.float32),
        pltpu.SemaphoreType.DMA,
        pltpu.SemaphoreType.DMA,
        pltpu.SemaphoreType.DMA,
        pltpu.SemaphoreType.DMA,
        pltpu.SemaphoreType.DMA,
    ],
    compiler_params=pltpu.CompilerParams(use_tc_tiling_on_sc=False),
)
def _patchify(
    idx_hbm, table_hbm, out_hbm, table_sh, idx_v, rows_v,
    si0, si1, sg, so0, so1,
):
    cid = lax.axis_index("c")
    sid = lax.axis_index("s")
    wid = sid * NC + cid
    base = wid * N_W

    @pl.when(sid == 0)
    def _stage_table():
        pltpu.sync_copy(table_hbm, table_sh)

    plsc.subcore_barrier()

    def idx_load(g, buf, sem):
        return pltpu.make_async_copy(
            idx_hbm.at[pl.ds(wid, 1), pl.ds(g * CHUNK, CHUNK)],
            idx_v.at[pl.ds(buf, 1)],
            sem,
        )

    def gather(buf):
        return pltpu.make_async_copy(
            table_sh.at[idx_v.at[pl.ds(buf, 1)].at[0]],
            rows_v.at[pl.ds(buf * CHUNK, CHUNK)],
            sg,
        )

    def store(g, buf, sem):
        return pltpu.make_async_copy(
            rows_v.at[pl.ds(buf * CHUNK, CHUNK)],
            out_hbm.at[pl.ds(base + g * CHUNK, CHUNK)],
            sem,
        )

    idx_load(0, 0, si0).start()
    idx_load(1, 1, si1).start()

    def half(gp, buf, sem_i, sem_o):
        g = 2 * gp + buf
        idx_load(g, buf, sem_i).wait()

        @pl.when(g >= 2)
        def _drain_store():
            store(g - 2, buf, sem_o).wait()

        ga = gather(buf)
        ga.start()
        ga.wait()
        store(g, buf, sem_o).start()

        @pl.when(g + 2 < NCHUNK)
        def _next_idx():
            idx_load(g + 2, buf, sem_i).start()

    def body(gp, carry):
        half(gp, 0, si0, so0)
        half(gp, 1, si1, so1)
        return carry

    lax.fori_loop(0, NPAIR, body, 0)
    store(NCHUNK - 2, 0, so0).wait()
    store(NCHUNK - 1, 1, so1).wait()


def kernel(spikes, table):
    idx = spikes.reshape(NW, N_W)
    out = _patchify(idx, table)
    return out.reshape(BS, T, PN * EMB)

# --- scband reference (transcript-rebuilt; emitter-appended) ---
"""Pipeline reference for scband-spikes-patchifier-7627861917855 (READ-ONLY COPY).

The authoritative reference and input builder live on the scoring server;
editing this copy changes nothing except your own understanding.
"""

import jax, jax.numpy as jnp
import numpy as np

BS, T, PN, PT = 64, 1024, 32, 1
MAX_NEURON_COUNT = 21
PAD = 5
DIM = 1024
SPIKE_EMBED_DIM = round(DIM / PN)  # 32


def setup_inputs(seed: int = 0) -> dict:
    key = jax.random.key(seed)
    k1, k2 = jax.random.split(key)
    spikes = jax.random.randint(k1, (BS, T, PN, PT), 0, MAX_NEURON_COUNT, dtype=jnp.int32)
    # nn.Embedding weight ~ N(0,1); padding_idx row zeroed at init
    table = jax.random.normal(k2, (MAX_NEURON_COUNT, SPIKE_EMBED_DIM), dtype=jnp.float32)
    table = table.at[PAD].set(0.0)
    return {"spikes": spikes, "table": table}


def reference(spikes, table):
    # rearrange 'bs T Pn Pt -> bs T (Pn Pt)'
    bs, t, pn, pt = spikes.shape
    x = spikes.reshape(bs, t, pn * pt)
    # embedding lookup with padding_idx row forced to zero
    emb_table = table.at[PAD].set(0.0)
    out = jnp.take(emb_table, x, axis=0)  # (bs, T, Pn*Pt, spike_embed_dim)
    # flatten(-2, -1)
    return out.reshape(bs, t, pn * pt * out.shape[-1])

if __name__ == "__main__":
    import jax
    _d = setup_inputs()
    print(jax.jit(kernel)(*tuple(_d.values())))

</pallas_src>

<mosaic_0001>
#map = affine_map<(d0, d1) -> (0, 0)>
module attributes {stable_mosaic.version = 14 : i64} {
  func.func @_patchify(%arg0: i32, %arg1: i32, %arg2: memref<32x65536xi32, #tpu.memory_space<hbm>>, %arg3: memref<21x32xf32, #tpu.memory_space<hbm>>, %arg4: memref<2097152x32xf32, #tpu.memory_space<hbm>>, %arg5: memref<21x32xf32, #tpu.memory_space<vmem_shared>>, %arg6: memref<2x1024xi32, #tpu.memory_space<vmem>>, %arg7: memref<2048x32xf32, #tpu.memory_space<vmem>>, %arg8: memref<!tpu.dma_semaphore, #tpu.memory_space<semaphore_mem>>, %arg9: memref<!tpu.dma_semaphore, #tpu.memory_space<semaphore_mem>>, %arg10: memref<!tpu.dma_semaphore, #tpu.memory_space<semaphore_mem>>, %arg11: memref<!tpu.dma_semaphore, #tpu.memory_space<semaphore_mem>>, %arg12: memref<!tpu.dma_semaphore, #tpu.memory_space<semaphore_mem>>) attributes {dimension_semantics = [#tpu.dimension_semantics<core_parallel>, #tpu.dimension_semantics<subcore_parallel>], iteration_bounds = array<i64: 2, 16>, scalar_prefetch = 0 : i64, scratch_operands = 8 : i64, tpu.core_type = #tpu.core_type<sc_vector_subcore>, window_params = [{transform_indices = #map}, {transform_indices = #map}, {transform_indices = #map}]} {
    %mul3A = arith.constant 2 : i32
    %mul3A_0 = arith.muli %arg1, %mul3A : i32
    %add3A = arith.addi %mul3A_0, %arg0 : i32
    %mul3A_1 = arith.constant 65536 : i32
    %mul3A_2 = arith.muli %add3A, %mul3A_1 : i32
    %eq3A = arith.constant 0 : i32
    %eq3A_3 = arith.cmpi eq, %arg1, %eq3A : i32
    %convert_element_type3A = arith.extui %eq3A_3 : i1 to i32
    %cond3A = arith.constant 0 : i32
    %cond3A_4 = arith.cmpi ne, %convert_element_type3A, %cond3A : i32
    scf.if %cond3A_4 {
      "tpu.region"() ({
        %run_scoped3A = tpu.sem_alloc : memref<!tpu.dma_semaphore, #tpu.memory_space<semaphore_mem>>
        tpu.enqueue_dma source(%arg3 : memref<21x32xf32, #tpu.memory_space<hbm>>) target(%arg5 : memref<21x32xf32, #tpu.memory_space<vmem_shared>>) target_semaphore(%run_scoped3A : memref<!tpu.dma_semaphore, #tpu.memory_space<semaphore_mem>>)
        tpu.wait_dma2 semaphore(%run_scoped3A : memref<!tpu.dma_semaphore, #tpu.memory_space<semaphore_mem>>) src(%arg3 : memref<21x32xf32, #tpu.memory_space<hbm>>) dst(%arg5 : memref<21x32xf32, #tpu.memory_space<vmem_shared>>)
        tpu.yield
      }) : () -> ()
    } else {
    }
    %barrier3A = arith.constant 0 : index
    tpu.barrier barrier_id(%barrier3A)
    %dma_start3A = arith.constant 0 : i32
    %dma_start3A_5 = arith.constant 0 : i32
    %dma_start3A_6 = tpu.memref_slice %arg6[%dma_start3A, %dma_start3A_5] : memref<2x1024xi32, #tpu.memory_space<vmem>> -> memref<1x1024xi32, #tpu.memory_space<vmem>>
    %dma_start3A_7 = arith.constant 0 : i32
    %dma_start3A_8 = tpu.memref_slice %arg2[%add3A, %dma_start3A_7] : memref<32x65536xi32, #tpu.memory_space<hbm>> -> memref<1x1024xi32, #tpu.memory_space<hbm>>
    %dma_start3A_9 = arith.constant 0 : i32
    %dma_start3A_10 = arith.constant 0 : i32
    %dma_start3A_11 = tpu.memref_slice %arg6[%dma_start3A_9, %dma_start3A_10] : memref<2x1024xi32, #tpu.memory_space<vmem>> -> memref<1x1024xi32, #tpu.memory_space<vmem>>
    %dma_start3A_12 = arith.constant 0 : i32
    %dma_start3A_13 = tpu.memref_slice %arg2[%add3A, %dma_start3A_12] : memref<32x65536xi32, #tpu.memory_space<hbm>> -> memref<1x1024xi32, #tpu.memory_space<hbm>>
    tpu.enqueue_dma source(%dma_start3A_13 : memref<1x1024xi32, #tpu.memory_space<hbm>>) target(%dma_start3A_11 : memref<1x1024xi32, #tpu.memory_space<vmem>>) target_semaphore(%arg8 : memref<!tpu.dma_semaphore, #tpu.memory_space<semaphore_mem>>)
    %dma_start3A_14 = arith.constant 1 : i32
    %dma_start3A_15 = arith.constant 0 : i32
    %dma_start3A_16 = tpu.memref_slice %arg6[%dma_start3A_14, %dma_start3A_15] : memref<2x1024xi32, #tpu.memory_space<vmem>> -> memref<1x1024xi32, #tpu.memory_space<vmem>>
    %dma_start3A_17 = arith.constant 1024 : i32
    %dma_start3A_18 = tpu.memref_slice %arg2[%add3A, %dma_start3A_17] : memref<32x65536xi32, #tpu.memory_space<hbm>> -> memref<1x1024xi32, #tpu.memory_space<hbm>>
    %dma_start3A_19 = arith.constant 1 : i32
    %dma_start3A_20 = arith.constant 0 : i32
    %dma_start3A_21 = tpu.memref_slice %arg6[%dma_start3A_19, %dma_start3A_20] : memref<2x1024xi32, #tpu.memory_space<vmem>> -> memref<1x1024xi32, #tpu.memory_space<vmem>>
    %dma_start3A_22 = arith.constant 1024 : i32
    %dma_start3A_23 = tpu.memref_slice %arg2[%add3A, %dma_start3A_22] : memref<32x65536xi32, #tpu.memory_space<hbm>> -> memref<1x1024xi32, #tpu.memory_space<hbm>>
    tpu.enqueue_dma source(%dma_start3A_23 : memref<1x1024xi32, #tpu.memory_space<hbm>>) target(%dma_start3A_21 : memref<1x1024xi32, #tpu.memory_space<vmem>>) target_semaphore(%arg9 : memref<!tpu.dma_semaphore, #tpu.memory_space<semaphore_mem>>)
    %scan3A = arith.constant 0 : i32
    %scan3A_24 = arith.constant 0 : i32
    %scan3A_25 = arith.constant 32 : i32
    %scan3A_26 = arith.addi %scan3A_24, %scan3A_25 : i32
    %scan3A_27 = arith.constant 1 : i32
    scf.for %scan3A_52 = %scan3A_24 to %scan3A_26 step %scan3A_27  : i32 {
      %mul3A_53 = arith.constant 2 : i32
      %mul3A_54 = arith.muli %mul3A_53, %scan3A_52 : i32
      %add3A_55 = arith.constant 0 : i32
      %add3A_56 = arith.addi %mul3A_54, %add3A_55 : i32
      %mul3A_57 = arith.constant 1024 : i32
      %mul3A_58 = arith.muli %add3A_56, %mul3A_57 : i32
      %dma_wait3A_59 = arith.constant 0 : i32
      %dma_wait3A_60 = arith.constant 0 : i32
      %dma_wait3A_61 = tpu.memref_slice %arg6[%dma_wait3A_59, %dma_wait3A_60] : memref<2x1024xi32, #tpu.memory_space<vmem>> -> memref<1x1024xi32, #tpu.memory_space<vmem>>
      %dma_wait3A_62 = tpu.memref_slice %arg2[%add3A, %mul3A_58] : memref<32x65536xi32, #tpu.memory_space<hbm>> -> memref<1x1024xi32, #tpu.memory_space<hbm>>
      %dma_wait3A_63 = arith.constant 0 : i32
      %dma_wait3A_64 = arith.constant 0 : i32
      %dma_wait3A_65 = tpu.memref_slice %arg6[%dma_wait3A_63, %dma_wait3A_64] : memref<2x1024xi32, #tpu.memory_space<vmem>> -> memref<1x1024xi32, #tpu.memory_space<vmem>>
      %dma_wait3A_66 = tpu.memref_slice %arg2[%add3A, %mul3A_58] : memref<32x65536xi32, #tpu.memory_space<hbm>> -> memref<1x1024xi32, #tpu.memory_space<hbm>>
      tpu.wait_dma2 semaphore(%arg8 : memref<!tpu.dma_semaphore, #tpu.memory_space<semaphore_mem>>) src(%dma_wait3A_66 : memref<1x1024xi32, #tpu.memory_space<hbm>>) dst(%dma_wait3A_65 : memref<1x1024xi32, #tpu.memory_space<vmem>>)
      %ge3A = arith.constant 2 : i32
      %ge3A_67 = arith.cmpi sge, %add3A_56, %ge3A : i32
      %convert_element_type3A_68 = arith.extui %ge3A_67 : i1 to i32
      %cond3A_69 = arith.constant 0 : i32
      %cond3A_70 = arith.cmpi ne, %convert_element_type3A_68, %cond3A_69 : i32
      scf.if %cond3A_70 {
        %sub3A = arith.constant 2 : i32
        %sub3A_181 = arith.subi %add3A_56, %sub3A : i32
        %mul3A_182 = arith.constant 1024 : i32
        %mul3A_183 = arith.muli %sub3A_181, %mul3A_182 : i32
        %add3A_184 = arith.addi %mul3A_2, %mul3A_183 : i32
        %dma_wait3A_185 = arith.constant 0 : i32
        %dma_wait3A_186 = arith.constant 0 : i32
        %dma_wait3A_187 = tpu.memref_slice %arg7[%dma_wait3A_185, %dma_wait3A_186] : memref<2048x32xf32, #tpu.memory_space<vmem>> -> memref<1024x32xf32, #tpu.memory_space<vmem>>
        %dma_wait3A_188 = arith.constant 0 : i32
        %dma_wait3A_189 = tpu.memref_slice %arg4[%add3A_184, %dma_wait3A_188] : memref<2097152x32xf32, #tpu.memory_space<hbm>> -> memref<1024x32xf32, #tpu.memory_space<hbm>>
        %dma_wait3A_190 = arith.constant 0 : i32
        %dma_wait3A_191 = tpu.memref_slice %arg4[%add3A_184, %dma_wait3A_190] : memref<2097152x32xf32, #tpu.memory_space<hbm>> -> memref<1024x32xf32, #tpu.memory_space<hbm>>
        %dma_wait3A_192 = arith.constant 0 : i32
        %dma_wait3A_193 = arith.constant 0 : i32
        %dma_wait3A_194 = tpu.memref_slice %arg7[%dma_wait3A_192, %dma_wait3A_193] : memref<2048x32xf32, #tpu.memory_space<vmem>> -> memref<1024x32xf32, #tpu.memory_space<vmem>>
        tpu.wait_dma2 semaphore(%arg11 : memref<!tpu.dma_semaphore, #tpu.memory_space<semaphore_mem>>) src(%dma_wait3A_194 : memref<1024x32xf32, #tpu.memory_space<vmem>>) dst(%dma_wait3A_191 : memref<1024x32xf32, #tpu.memory_space<hbm>>)
      } else {
      }
      %dma_start3A_71 = arith.constant 0 : i32
      %dma_start3A_72 = arith.constant 0 : i32
      %dma_start3A_73 = arith.constant 0 : i32
      %dma_start3A_74 = tpu.memref_slice %arg7[%dma_start3A_72, %dma_start3A_73] : memref<2048x32xf32, #tpu.memory_space<vmem>> -> memref<1024x32xf32, #tpu.memory_space<vmem>>
      %dma_start3A_75 = arith.constant 0 : i32
      %dma_start3A_76 = arith.constant 0 : i32
      %dma_start3A_77 = tpu.memref_slice %arg6[%dma_start3A_75, %dma_start3A_76] : memref<2x1024xi32, #tpu.memory_space<vmem>> -> memref<1x1024xi32, #tpu.memory_space<vmem>>
      %dma_start3A_78 = arith.constant 0 : i32
      %dma_start3A_79 = tpu.memref_slice %dma_start3A_77[%dma_start3A_71, %dma_start3A_78] : memref<1x1024xi32, #tpu.memory_space<vmem>> -> memref<1x1024xi32, #tpu.memory_space<vmem>>
      %dma_start3A_80 = tpu.memref_squeeze %dma_start3A_79 : memref<1x1024xi32, #tpu.memory_space<vmem>> -> memref<1024xi32, #tpu.memory_space<vmem>>
      %dma_start3A_81 = arith.constant 0 : i32
      %dma_start3A_82 = arith.constant 0 : i32
      %dma_start3A_83 = tpu.memref_slice %arg5[%dma_start3A_81, %dma_start3A_82] : memref<21x32xf32, #tpu.memory_space<vmem_shared>> -> memref<21x32xf32, #tpu.memory_space<vmem_shared>>
      tpu.enqueue_indirect_dma source(%dma_start3A_83 : memref<21x32xf32, #tpu.memory_space<vmem_shared>>) target(%dma_start3A_74 : memref<1024x32xf32, #tpu.memory_space<vmem>>) offsets(%dma_start3A_80 : memref<1024xi32, #tpu.memory_space<vmem>>) semaphore(%arg10 : memref<!tpu.dma_semaphore, #tpu.memory_space<semaphore_mem>>)
      %dma_wait3A_84 = arith.constant 0 : i32
      %dma_wait3A_85 = arith.constant 0 : i32
      %dma_wait3A_86 = arith.constant 0 : i32
      %dma_wait3A_87 = tpu.memref_slice %arg7[%dma_wait3A_85, %dma_wait3A_86] : memref<2048x32xf32, #tpu.memory_space<vmem>> -> memref<1024x32xf32, #tpu.memory_space<vmem>>
      %dma_wait3A_88 = arith.constant 0 : i32
      %dma_wait3A_89 = arith.constant 0 : i32
      %dma_wait3A_90 = tpu.memref_slice %arg6[%dma_wait3A_88, %dma_wait3A_89] : memref<2x1024xi32, #tpu.memory_space<vmem>> -> memref<1x1024xi32, #tpu.memory_space<vmem>>
      %dma_wait3A_91 = arith.constant 0 : i32
      %dma_wait3A_92 = tpu.memref_slice %dma_wait3A_90[%dma_wait3A_84, %dma_wait3A_91] : memref<1x1024xi32, #tpu.memory_space<vmem>> -> memref<1x1024xi32, #tpu.memory_space<vmem>>
      %dma_wait3A_93 = tpu.memref_squeeze %dma_wait3A_92 : memref<1x1024xi32, #tpu.memory_space<vmem>> -> memref<1024xi32, #tpu.memory_space<vmem>>
      %dma_wait3A_94 = arith.constant 0 : i32
      %dma_wait3A_95 = arith.constant 0 : i32
      %dma_wait3A_96 = tpu.memref_slice %arg5[%dma_wait3A_94, %dma_wait3A_95] : memref<21x32xf32, #tpu.memory_space<vmem_shared>> -> memref<21x32xf32, #tpu.memory_space<vmem_shared>>
      tpu.wait_indirect_dma semaphore(%arg10 : memref<!tpu.dma_semaphore, #tpu.memory_space<semaphore_mem>>) src(%dma_wait3A_96 : memref<21x32xf32, #tpu.memory_space<vmem_shared>>) dst(%dma_wait3A_87 : memref<1024x32xf32, #tpu.memory_space<vmem>>)
      %mul3A_97 = arith.constant 1024 : i32
      %mul3A_98 = arith.muli %add3A_56, %mul3A_97 : i32
      %add3A_99 = arith.addi %mul3A_2, %mul3A_98 : i32
      %dma_start3A_100 = arith.constant 0 : i32
      %dma_start3A_101 = arith.constant 0 : i32
      %dma_start3A_102 = tpu.memref_slice %arg7[%dma_start3A_100, %dma_start3A_101] : memref<2048x32xf32, #tpu.memory_space<vmem>> -> memref<1024x32xf32, #tpu.memory_space<vmem>>
      %dma_start3A_103 = arith.constant 0 : i32
      %dma_start3A_104 = tpu.memref_slice %arg4[%add3A_99, %dma_start3A_103] : memref<2097152x32xf32, #tpu.memory_space<hbm>> -> memref<1024x32xf32, #tpu.memory_space<hbm>>
      %dma_start3A_105 = arith.constant 0 : i32
      %dma_start3A_106 = tpu.memref_slice %arg4[%add3A_99, %dma_start3A_105] : memref<2097152x32xf32, #tpu.memory_space<hbm>> -> memref<1024x32xf32, #tpu.memory_space<hbm>>
      %dma_start3A_107 = arith.constant 0 : i32
      %dma_start3A_108 = arith.constant 0 : i32
      %dma_start3A_109 = tpu.memref_slice %arg7[%dma_start3A_107, %dma_start3A_108] : memref<2048x32xf32, #tpu.memory_space<vmem>> -> memref<1024x32xf32, #tpu.memory_space<vmem>>
      tpu.enqueue_dma source(%dma_start3A_109 : memref<1024x32xf32, #tpu.memory_space<vmem>>) target(%dma_start3A_106 : memref<1024x32xf32, #tpu.memory_space<hbm>>) target_semaphore(%arg11 : memref<!tpu.dma_semaphore, #tpu.memory_space<semaphore_mem>>)
      %add3A_110 = arith.constant 2 : i32
      %add3A_111 = arith.addi %add3A_56, %add3A_110 : i32
      %lt3A = arith.constant 64 : i32
      %lt3A_112 = arith.cmpi slt, %add3A_111, %lt3A : i32
      %convert_element_type3A_113 = arith.extui %lt3A_112 : i1 to i32
      %cond3A_114 = arith.constant 0 : i32
      %cond3A_115 = arith.cmpi ne, %convert_element_type3A_113, %cond3A_114 : i32
      scf.if %cond3A_115 {
        %add3A_181 = arith.constant 2 : i32
        %add3A_182 = arith.addi %add3A_56, %add3A_181 : i32
        %mul3A_183 = arith.constant 1024 : i32
        %mul3A_184 = arith.muli %add3A_182, %mul3A_183 : i32
        %dma_start3A_185 = arith.constant 0 : i32
        %dma_start3A_186 = arith.constant 0 : i32
        %dma_start3A_187 = tpu.memref_slice %arg6[%dma_start3A_185, %dma_start3A_186] : memref<2x1024xi32, #tpu.memory_space<vmem>> -> memref<1x1024xi32, #tpu.memory_space<vmem>>
        %dma_start3A_188 = tpu.memref_slice %arg2[%add3A, %mul3A_184] : memref<32x65536xi32, #tpu.memory_space<hbm>> -> memref<1x1024xi32, #tpu.memory_space<hbm>>
        %dma_start3A_189 = arith.constant 0 : i32
        %dma_start3A_190 = arith.constant 0 : i32
        %dma_start3A_191 = tpu.memref_slice %arg6[%dma_start3A_189, %dma_start3A_190] : memref<2x1024xi32, #tpu.memory_space<vmem>> -> memref<1x1024xi32, #tpu.memory_space<vmem>>
        %dma_start3A_192 = tpu.memref_slice %arg2[%add3A, %mul3A_184] : memref<32x65536xi32, #tpu.memory_space<hbm>> -> memref<1x1024xi32, #tpu.memory_space<hbm>>
        tpu.enqueue_dma source(%dma_start3A_192 : memref<1x1024xi32, #tpu.memory_space<hbm>>) target(%dma_start3A_191 : memref<1x1024xi32, #tpu.memory_space<vmem>>) target_semaphore(%arg8 : memref<!tpu.dma_semaphore, #tpu.memory_space<semaphore_mem>>)
      } else {
      }
      %mul3A_116 = arith.constant 2 : i32
      %mul3A_117 = arith.muli %mul3A_116, %scan3A_52 : i32
      %add3A_118 = arith.constant 1 : i32
      %add3A_119 = arith.addi %mul3A_117, %add3A_118 : i32
      %mul3A_120 = arith.constant 1024 : i32
      %mul3A_121 = arith.muli %add3A_119, %mul3A_120 : i32
      %dma_wait3A_122 = arith.constant 1 : i32
      %dma_wait3A_123 = arith.constant 0 : i32
      %dma_wait3A_124 = tpu.memref_slice %arg6[%dma_wait3A_122, %dma_wait3A_123] : memref<2x1024xi32, #tpu.memory_space<vmem>> -> memref<1x1024xi32, #tpu.memory_space<vmem>>
      %dma_wait3A_125 = tpu.memref_slice %arg2[%add3A, %mul3A_121] : memref<32x65536xi32, #tpu.memory_space<hbm>> -> memref<1x1024xi32, #tpu.memory_space<hbm>>
      %dma_wait3A_126 = arith.constant 1 : i32
      %dma_wait3A_127 = arith.constant 0 : i32
      %dma_wait3A_128 = tpu.memref_slice %arg6[%dma_wait3A_126, %dma_wait3A_127] : memref<2x1024xi32, #tpu.memory_space<vmem>> -> memref<1x1024xi32, #tpu.memory_space<vmem>>
      %dma_wait3A_129 = tpu.memref_slice %arg2[%add3A, %mul3A_121] : memref<32x65536xi32, #tpu.memory_space<hbm>> -> memref<1x1024xi32, #tpu.memory_space<hbm>>
      tpu.wait_dma2 semaphore(%arg9 : memref<!tpu.dma_semaphore, #tpu.memory_space<semaphore_mem>>) src(%dma_wait3A_129 : memref<1x1024xi32, #tpu.memory_space<hbm>>) dst(%dma_wait3A_128 : memref<1x1024xi32, #tpu.memory_space<vmem>>)
      %ge3A_130 = arith.constant 2 : i32
      %ge3A_131 = arith.cmpi sge, %add3A_119, %ge3A_130 : i32
      %convert_element_type3A_132 = arith.extui %ge3A_131 : i1 to i32
      %cond3A_133 = arith.constant 0 : i32
      %cond3A_134 = arith.cmpi ne, %convert_element_type3A_132, %cond3A_133 : i32
      scf.if %cond3A_134 {
        %sub3A = arith.constant 2 : i32
        %sub3A_181 = arith.subi %add3A_119, %sub3A : i32
        %mul3A_182 = arith.constant 1024 : i32
        %mul3A_183 = arith.muli %sub3A_181, %mul3A_182 : i32
        %add3A_184 = arith.addi %mul3A_2, %mul3A_183 : i32
        %dma_wait3A_185 = arith.constant 1024 : i32
        %dma_wait3A_186 = arith.constant 0 : i32
        %dma_wait3A_187 = tpu.memref_slice %arg7[%dma_wait3A_185, %dma_wait3A_186] : memref<2048x32xf32, #tpu.memory_space<vmem>> -> memref<1024x32xf32, #tpu.memory_space<vmem>>
        %dma_wait3A_188 = arith.constant 0 : i32
        %dma_wait3A_189 = tpu.memref_slice %arg4[%add3A_184, %dma_wait3A_188] : memref<2097152x32xf32, #tpu.memory_space<hbm>> -> memref<1024x32xf32, #tpu.memory_space<hbm>>
        %dma_wait3A_190 = arith.constant 0 : i32
        %dma_wait3A_191 = tpu.memref_slice %arg4[%add3A_184, %dma_wait3A_190] : memref<2097152x32xf32, #tpu.memory_space<hbm>> -> memref<1024x32xf32, #tpu.memory_space<hbm>>
        %dma_wait3A_192 = arith.constant 1024 : i32
        %dma_wait3A_193 = arith.constant 0 : i32
        %dma_wait3A_194 = tpu.memref_slice %arg7[%dma_wait3A_192, %dma_wait3A_193] : memref<2048x32xf32, #tpu.memory_space<vmem>> -> memref<1024x32xf32, #tpu.memory_space<vmem>>
        tpu.wait_dma2 semaphore(%arg12 : memref<!tpu.dma_semaphore, #tpu.memory_space<semaphore_mem>>) src(%dma_wait3A_194 : memref<1024x32xf32, #tpu.memory_space<vmem>>) dst(%dma_wait3A_191 : memref<1024x32xf32, #tpu.memory_space<hbm>>)
      } else {
      }
      %dma_start3A_135 = arith.constant 0 : i32
      %dma_start3A_136 = arith.constant 1024 : i32
      %dma_start3A_137 = arith.constant 0 : i32
      %dma_start3A_138 = tpu.memref_slice %arg7[%dma_start3A_136, %dma_start3A_137] : memref<2048x32xf32, #tpu.memory_space<vmem>> -> memref<1024x32xf32, #tpu.memory_space<vmem>>
      %dma_start3A_139 = arith.constant 1 : i32
      %dma_start3A_140 = arith.constant 0 : i32
      %dma_start3A_141 = tpu.memref_slice %arg6[%dma_start3A_139, %dma_start3A_140] : memref<2x1024xi32, #tpu.memory_space<vmem>> -> memref<1x1024xi32, #tpu.memory_space<vmem>>
      %dma_start3A_142 = arith.constant 0 : i32
      %dma_start3A_143 = tpu.memref_slice %dma_start3A_141[%dma_start3A_135, %dma_start3A_142] : memref<1x1024xi32, #tpu.memory_space<vmem>> -> memref<1x1024xi32, #tpu.memory_space<vmem>>
      %dma_start3A_144 = tpu.memref_squeeze %dma_start3A_143 : memref<1x1024xi32, #tpu.memory_space<vmem>> -> memref<1024xi32, #tpu.memory_space<vmem>>
      %dma_start3A_145 = arith.constant 0 : i32
      %dma_start3A_146 = arith.constant 0 : i32
      %dma_start3A_147 = tpu.memref_slice %arg5[%dma_start3A_145, %dma_start3A_146] : memref<21x32xf32, #tpu.memory_space<vmem_shared>> -> memref<21x32xf32, #tpu.memory_space<vmem_shared>>
      tpu.enqueue_indirect_dma source(%dma_start3A_147 : memref<21x32xf32, #tpu.memory_space<vmem_shared>>) target(%dma_start3A_138 : memref<1024x32xf32, #tpu.memory_space<vmem>>) offsets(%dma_start3A_144 : memref<1024xi32, #tpu.memory_space<vmem>>) semaphore(%arg10 : memref<!tpu.dma_semaphore, #tpu.memory_space<semaphore_mem>>)
      %dma_wait3A_148 = arith.constant 0 : i32
      %dma_wait3A_149 = arith.constant 1024 : i32
      %dma_wait3A_150 = arith.constant 0 : i32
      %dma_wait3A_151 = tpu.memref_slice %arg7[%dma_wait3A_149, %dma_wait3A_150] : memref<2048x32xf32, #tpu.memory_space<vmem>> -> memref<1024x32xf32, #tpu.memory_space<vmem>>
      %dma_wait3A_152 = arith.constant 1 : i32
      %dma_wait3A_153 = arith.constant 0 : i32
      %dma_wait3A_154 = tpu.memref_slice %arg6[%dma_wait3A_152, %dma_wait3A_153] : memref<2x1024xi32, #tpu.memory_space<vmem>> -> memref<1x1024xi32, #tpu.memory_space<vmem>>
      %dma_wait3A_155 = arith.constant 0 : i32
      %dma_wait3A_156 = tpu.memref_slice %dma_wait3A_154[%dma_wait3A_148, %dma_wait3A_155] : memref<1x1024xi32, #tpu.memory_space<vmem>> -> memref<1x1024xi32, #tpu.memory_space<vmem>>
      %dma_wait3A_157 = tpu.memref_squeeze %dma_wait3A_156 : memref<1x1024xi32, #tpu.memory_space<vmem>> -> memref<1024xi32, #tpu.memory_space<vmem>>
      %dma_wait3A_158 = arith.constant 0 : i32
      %dma_wait3A_159 = arith.constant 0 : i32
      %dma_wait3A_160 = tpu.memref_slice %arg5[%dma_wait3A_158, %dma_wait3A_159] : memref<21x32xf32, #tpu.memory_space<vmem_shared>> -> memref<21x32xf32, #tpu.memory_space<vmem_shared>>
      tpu.wait_indirect_dma semaphore(%arg10 : memref<!tpu.dma_semaphore, #tpu.memory_space<semaphore_mem>>) src(%dma_wait3A_160 : memref<21x32xf32, #tpu.memory_space<vmem_shared>>) dst(%dma_wait3A_151 : memref<1024x32xf32, #tpu.memory_space<vmem>>)
      %mul3A_161 = arith.constant 1024 : i32
      %mul3A_162 = arith.muli %add3A_119, %mul3A_161 : i32
      %add3A_163 = arith.addi %mul3A_2, %mul3A_162 : i32
      %dma_start3A_164 = arith.constant 1024 : i32
      %dma_start3A_165 = arith.constant 0 : i32
      %dma_start3A_166 = tpu.memref_slice %arg7[%dma_start3A_164, %dma_start3A_165] : memref<2048x32xf32, #tpu.memory_space<vmem>> -> memref<1024x32xf32, #tpu.memory_space<vmem>>
      %dma_start3A_167 = arith.constant 0 : i32
      %dma_start3A_168 = tpu.memref_slice %arg4[%add3A_163, %dma_start3A_167] : memref<2097152x32xf32, #tpu.memory_space<hbm>> -> memref<1024x32xf32, #tpu.memory_space<hbm>>
      %dma_start3A_169 = arith.constant 0 : i32
      %dma_start3A_170 = tpu.memref_slice %arg4[%add3A_163, %dma_start3A_169] : memref<2097152x32xf32, #tpu.memory_space<hbm>> -> memref<1024x32xf32, #tpu.memory_space<hbm>>
      %dma_start3A_171 = arith.constant 1024 : i32
      %dma_start3A_172 = arith.constant 0 : i32
      %dma_start3A_173 = tpu.memref_slice %arg7[%dma_start3A_171, %dma_start3A_172] : memref<2048x32xf32, #tpu.memory_space<vmem>> -> memref<1024x32xf32, #tpu.memory_space<vmem>>
      tpu.enqueue_dma source(%dma_start3A_173 : memref<1024x32xf32, #tpu.memory_space<vmem>>) target(%dma_start3A_170 : memref<1024x32xf32, #tpu.memory_space<hbm>>) target_semaphore(%arg12 : memref<!tpu.dma_semaphore, #tpu.memory_space<semaphore_mem>>)
      %add3A_174 = arith.constant 2 : i32
      %add3A_175 = arith.addi %add3A_119, %add3A_174 : i32
      %lt3A_176 = arith.constant 64 : i32
      %lt3A_177 = arith.cmpi slt, %add3A_175, %lt3A_176 : i32
      %convert_element_type3A_178 = arith.extui %lt3A_177 : i1 to i32
      %cond3A_179 = arith.constant 0 : i32
      %cond3A_180 = arith.cmpi ne, %convert_element_type3A_178, %cond3A_179 : i32
      scf.if %cond3A_180 {
        %add3A_181 = arith.constant 2 : i32
        %add3A_182 = arith.addi %add3A_119, %add3A_181 : i32
        %mul3A_183 = arith.constant 1024 : i32
        %mul3A_184 = arith.muli %add3A_182, %mul3A_183 : i32
        %dma_start3A_185 = arith.constant 1 : i32
        %dma_start3A_186 = arith.constant 0 : i32
        %dma_start3A_187 = tpu.memref_slice %arg6[%dma_start3A_185, %dma_start3A_186] : memref<2x1024xi32, #tpu.memory_space<vmem>> -> memref<1x1024xi32, #tpu.memory_space<vmem>>
        %dma_start3A_188 = tpu.memref_slice %arg2[%add3A, %mul3A_184] : memref<32x65536xi32, #tpu.memory_space<hbm>> -> memref<1x1024xi32, #tpu.memory_space<hbm>>
        %dma_start3A_189 = arith.constant 1 : i32
        %dma_start3A_190 = arith.constant 0 : i32
        %dma_start3A_191 = tpu.memref_slice %arg6[%dma_start3A_189, %dma_start3A_190] : memref<2x1024xi32, #tpu.memory_space<vmem>> -> memref<1x1024xi32, #tpu.memory_space<vmem>>
        %dma_start3A_192 = tpu.memref_slice %arg2[%add3A, %mul3A_184] : memref<32x65536xi32, #tpu.memory_space<hbm>> -> memref<1x1024xi32, #tpu.memory_space<hbm>>
        tpu.enqueue_dma source(%dma_start3A_192 : memref<1x1024xi32, #tpu.memory_space<hbm>>) target(%dma_start3A_191 : memref<1x1024xi32, #tpu.memory_space<vmem>>) target_semaphore(%arg9 : memref<!tpu.dma_semaphore, #tpu.memory_space<semaphore_mem>>)
      } else {
      }
    }
    %scan3A_28 = arith.constant 32 : i32
    %add3A_29 = arith.constant 63488 : i32
    %add3A_30 = arith.addi %mul3A_2, %add3A_29 : i32
    %dma_wait3A = arith.constant 0 : i32
    %dma_wait3A_31 = arith.constant 0 : i32
    %dma_wait3A_32 = tpu.memref_slice %arg7[%dma_wait3A, %dma_wait3A_31] : memref<2048x32xf32, #tpu.memory_space<vmem>> -> memref<1024x32xf32, #tpu.memory_space<vmem>>
    %dma_wait3A_33 = arith.constant 0 : i32
    %dma_wait3A_34 = tpu.memref_slice %arg4[%add3A_30, %dma_wait3A_33] : memref<2097152x32xf32, #tpu.memory_space<hbm>> -> memref<1024x32xf32, #tpu.memory_space<hbm>>
    %dma_wait3A_35 = arith.constant 0 : i32
    %dma_wait3A_36 = tpu.memref_slice %arg4[%add3A_30, %dma_wait3A_35] : memref<2097152x32xf32, #tpu.memory_space<hbm>> -> memref<1024x32xf32, #tpu.memory_space<hbm>>
    %dma_wait3A_37 = arith.constant 0 : i32
    %dma_wait3A_38 = arith.constant 0 : i32
    %dma_wait3A_39 = tpu.memref_slice %arg7[%dma_wait3A_37, %dma_wait3A_38] : memref<2048x32xf32, #tpu.memory_space<vmem>> -> memref<1024x32xf32, #tpu.memory_space<vmem>>
    tpu.wait_dma2 semaphore(%arg11 : memref<!tpu.dma_semaphore, #tpu.memory_space<semaphore_mem>>) src(%dma_wait3A_39 : memref<1024x32xf32, #tpu.memory_space<vmem>>) dst(%dma_wait3A_36 : memref<1024x32xf32, #tpu.memory_space<hbm>>)
    %add3A_40 = arith.constant 64512 : i32
    %add3A_41 = arith.addi %mul3A_2, %add3A_40 : i32
    %dma_wait3A_42 = arith.constant 1024 : i32
    %dma_wait3A_43 = arith.constant 0 : i32
    %dma_wait3A_44 = tpu.memref_slice %arg7[%dma_wait3A_42, %dma_wait3A_43] : memref<2048x32xf32, #tpu.memory_space<vmem>> -> memref<1024x32xf32, #tpu.memory_space<vmem>>
    %dma_wait3A_45 = arith.constant 0 : i32
    %dma_wait3A_46 = tpu.memref_slice %arg4[%add3A_41, %dma_wait3A_45] : memref<2097152x32xf32, #tpu.memory_space<hbm>> -> memref<1024x32xf32, #tpu.memory_space<hbm>>
    %dma_wait3A_47 = arith.constant 0 : i32
    %dma_wait3A_48 = tpu.memref_slice %arg4[%add3A_41, %dma_wait3A_47] : memref<2097152x32xf32, #tpu.memory_space<hbm>> -> memref<1024x32xf32, #tpu.memory_space<hbm>>
    %dma_wait3A_49 = arith.constant 1024 : i32
    %dma_wait3A_50 = arith.constant 0 : i32
    %dma_wait3A_51 = tpu.memref_slice %arg7[%dma_wait3A_49, %dma_wait3A_50] : memref<2048x32xf32, #tpu.memory_space<vmem>> -> memref<1024x32xf32, #tpu.memory_space<vmem>>
    tpu.wait_dma2 semaphore(%arg12 : memref<!tpu.dma_semaphore, #tpu.memory_space<semaphore_mem>>) src(%dma_wait3A_51 : memref<1024x32xf32, #tpu.memory_space<vmem>>) dst(%dma_wait3A_48 : memref<1024x32xf32, #tpu.memory_space<hbm>>)
    return
  }
}

</mosaic_0001>

<sc_bundles>
// kernel: kernel.3.cloned.1.call-start
scs
__scs_entry_jumppad:
0x0: {  	(pc) =	sbr.rel $0x88, $3  }
0x1: {  	(tag) =	ssettag $0x0;
	lr =	simm.s32 $0x1  }
0x2: {  	[smem:$0x3F9F] =	sst lr;
	_ =	strace $0xD0000000  }
0x3: {  	_ = 	snop  }
0x4: {  	_ = 	snop  }
0x5: {  	_ = 	snop  }
0x6: {  	_ = 	snop  }
0x7: {  	_ = 	snop  }
__scs_overlays_trampoline_lowered:
0x8: {  	[smem:$0x3FAE] =	sst s0  }
0x9: {  	[smem:$0x3FAF] =	sst s1  }
0xa: {  	[smem:$0x3FB0] =	sst s2  }
0xb: {  	[smem:$0x3FB1] =	sst s3  }
0xc: {  	[smem:$0x3FB2] =	sst s4  }
0xd: {  	[smem:$0x3FB3] =	sst s5  }
0xe: {  	[smem:$0x3FB4] =	sst s6  }
0xf: {  	[smem:$0x3FB5] =	sst s7  }
0x10: {  	[smem:$0x3FB6] =	sst s8  }
0x11: {  	[smem:$0x3FB7] =	sst s9;
	s0 =	simm.s32 @!p0 $0x0  }
0x12: {  	s1 =	sld [smem:$0x3F9D];
	s0 =	simm.s32 @p0 $0x1  }
0x13: {  	[smem:$0x3FB8] =	sst s0;
	s0 =	simm.s32 @!p1 $0x0  }
0x14: {  	s2 =	sld [smem:$0x3F9C];
	s0 =	simm.s32 @p1 $0x1  }
0x15: {  	[smem:$0x3FB9] =	sst s0;
	s0 =	simm.s32 @!p2 $0x0  }
0x16: {  	s3 =	sld [smem:$0x3FDB];
	s0 =	simm.s32 @p2 $0x1  }
0x17: {  	s4 =	simm.s32 $0x1BF5;
	[smem:$0x3FBB] =	sst s0  }
0x18: {  	s0 =	sld [smem:$0x3F9E];
	_ =	swait.ge [sflag:s4], $0x0  }
0x19: {  	s7 =	sld [smem:$0x3F9F]  }
0x1a: {  	s8 =	sadd.s32 $0xFFFFE003, lr  }
0x1b: {  	s9 =	sadd.s32 $0xFFFFFEF7, lr;
	s5 =	simm.s32 $0xFFFFFFFF;
	p2 =	slt.u32 s8, $0xFFFFF086  }
0x1c: {  	p1 =	slt.u32 s9, $0xF7A;
	s5 =	simm.s32 @!p2 $0x0  }
0x1d: {  	s5 =	simm.s32 @p1 $0x1;
	p0 =	seq.s32 s7, s2  }
0x1e: {  	s7 =	smul.u32 @!p0 $0xF7A, s2;
	p2 =	seq.s32 @!p0 s5, $0x0  }
0x1f: {  	s9 =	smul.u32 $0xF7A, s1;
	s8 =	simm.s32 @!p0 $0x1BF5;
	p2 =	por !p2, p0  }
0x20: {  	[sflag:s8] =	ssyncset.s32 @!p0 $0xFFFFF086;
	s6 =	sadd.s32 @!p0 s3, s7;
	s7 =	simm.s32 @!p0 $0x108  }
0x21: {  	s3 =	sadd.s32 s3, s9;
	s6 =	sadd.s32 @!p0 $0x88, s6;
	s7 =	simm.s32 @p2 $0x1082  }
0x22: {  	[simem:s7], [sflag:s8] =	dma.local @!p0 [hbm:s6], $0xF7A  }
0x23: {  	s9 =	sor.u32 $0xD0000000, s2;
	s6 =	simm.s32 $0x108;
	_ =	swait.ge @!p0 [sflag:s8], $0x0  }
0x24: {  	s3 =	sadd.s32 $0x88, s3;
	s6 =	simm.s32 @!p1 $0x1082;
	[sflag:s4] =	ssyncset.s32 $0xFFFFF086  }
0x25: {  	[simem:s6], [sflag:s4] =	dma.local [hbm:s3], $0xF7A  }
0x26: {  	[smem:$0x3F9F] =	sst s1;
	(tag) =	ssettag s2;
	_ =	strace s9  }
0x27: {  	s1 =	sld [smem:$0x3FAF]  }
0x28: {  	s2 =	sld [smem:$0x3FB0]  }
0x29: {  	s4 =	sld [smem:$0x3FB2]  }
0x2a: {  	p0 =	seq.s32 s5, $0x0;
	s5 =	sld [smem:$0x3FB3]  }
0x2b: {  	s6 =	sld [smem:$0x3FB4]  }
0x2c: {  	s7 =	sld [smem:$0x3FB5]  }
0x2d: {  	s3 =	simm.s32 $0x108;
	s8 =	sld [smem:$0x3FB6]  }
0x2e: {  	s3 =	simm.s32 @!p0 $0x1082;
	s9 =	sld [smem:$0x3FB7]  }
0x2f: {  	lr =	sadd.s32 s0, s3;
	s0 =	sld [smem:$0x3FAE]  }
0x30: {  	s3 =	sld [smem:$0x3FB1]  }
0x31: {  	[smem:$0x3FBA] =	sst s10  }
0x32: {  	s10 =	sld [smem:$0x3FB8];
	_ =	sdelay $0x3  }
0x33: {  	p0 =	seq.s32 s10, $0x1;
	s10 =	sld [smem:$0x3FBA];
	_ =	sdelay $0x3  }
0x34: {  	[smem:$0x3FBA] =	sst s10  }
0x35: {  	s10 =	sld [smem:$0x3FB9];
	_ =	sdelay $0x3  }
0x36: {  	p1 =	seq.s32 s10, $0x1;
	s10 =	sld [smem:$0x3FBA];
	_ =	sdelay $0x3  }
0x37: {  	[smem:$0x3FBA] =	sst s10  }
0x38: {  	s10 =	sld [smem:$0x3FBB]  }
0x39: {  	_ = 	snop;
	(pc) =	sbr.ind lr, $3  }
0x3a: {  	_ = 	snop  }
0x3b: {  	_ = 	snop  }
0x3c: {  	p2 =	seq.s32 s10, $0x1;
	s10 =	sld [smem:$0x3FBA]  }
0x3d: {  	_ =	shalt  }
0x3e: {  	_ =	shalt  }
0x3f: {  	_ =	shalt  }
0x40: {  	_ =	shalt  }
0x41: {  	_ =	shalt  }
0x42: {  	_ =	shalt  }
0x43: {  	_ =	shalt  }
0x44: {  	_ =	shalt  }
0x45: {  	_ =	shalt  }
0x46: {  	_ =	shalt  }
0x47: {  	_ =	shalt  }
0x48: {  	_ =	shalt  }
0x49: {  	_ =	shalt  }
0x4a: {  	_ =	shalt  }
0x4b: {  	_ =	shalt  }
0x4c: {  	_ =	shalt  }
0x4d: {  	_ =	shalt  }
0x4e: {  	_ =	shalt  }
0x4f: {  	_ =	shalt  }
0x50: {  	_ =	shalt  }
0x51: {  	_ =	shalt  }
0x52: {  	_ =	shalt  }
0x53: {  	_ =	shalt  }
0x54: {  	_ =	shalt  }
0x55: {  	_ =	shalt  }
0x56: {  	_ =	shalt  }
0x57: {  	_ =	shalt  }
0x58: {  	_ =	shalt  }
0x59: {  	_ =	shalt  }
0x5a: {  	_ =	shalt  }
0x5b: {  	_ =	shalt  }
0x5c: {  	_ =	shalt  }
0x5d: {  	_ =	shalt  }
0x5e: {  	_ =	shalt  }
0x5f: {  	_ =	shalt  }
0x60: {  	_ =	shalt  }
0x61: {  	_ =	shalt  }
0x62: {  	_ =	shalt  }
0x63: {  	_ =	shalt  }
0x64: {  	_ =	shalt  }
0x65: {  	_ =	shalt  }
0x66: {  	_ =	shalt  }
0x67: {  	_ =	shalt  }
0x68: {  	_ =	shalt  }
0x69: {  	_ =	shalt  }
0x6a: {  	_ =	shalt  }
0x6b: {  	_ =	shalt  }
0x6c: {  	_ =	shalt  }
0x6d: {  	_ =	shalt  }
0x6e: {  	_ =	shalt  }
0x6f: {  	_ =	shalt  }
0x70: {  	_ =	shalt  }
0x71: {  	_ =	shalt  }
0x72: {  	_ =	shalt  }
0x73: {  	_ =	shalt  }
0x74: {  	_ =	shalt  }
0x75: {  	_ =	shalt  }
0x76: {  	_ =	shalt  }
0x77: {  	_ =	shalt  }
0x78: {  	_ =	shalt  }
0x79: {  	_ =	shalt  }
0x7a: {  	_ =	shalt  }
0x7b: {  	_ =	shalt  }
0x7c: {  	_ =	shalt  }
0x7d: {  	_ =	shalt  }
0x7e: {  	_ =	shalt  }
0x7f: {  	_ =	shalt  }
0x80: {  	_ =	shalt  }
0x81: {  	_ =	shalt  }
0x82: {  	_ =	shalt  }
0x83: {  	_ =	shalt  }
0x84: {  	_ =	shalt  }
0x85: {  	_ =	shalt  }
0x86: {  	_ =	shalt  }
0x87: {  	_ =	shalt  }
.Lfunc_end0:
.L_simem_size_0:
called_computation_lowered:
.L_overlay_start_0:
0x88: {  	s2 =	sld [smem:$0x3FD9]  }
0x89: {  	s3 =	sld [smem:$0x3FFE];
	_ =	sdelay $0x1  }
0x8a: {  	s1 =	srdreg.scid  }
0x8b: {  	s0 =	sand.u32 $0x1, s1  }
0x8c: {  	s16 =	sshll.u32 s0, $0xA;
	s2 =	sadd.s32 s3, s2  }
0x8d: {  	s2 =	sadd.s32 s2, s16  }
0x8e: {  	[smem:$0x3FC6] =	sst s2  }
0x8f: {  	_ = 	snop  }
0x90: {  	(tm) =	ssettm $0x1  }
0x91: {  	s17 =	sld [smem:$0x3FFB];
	_ =	sdelay $0x3  }
0x92: {  	_ =	strace s17  }
0x93: {  	s2 =	sld [smem:$0x3FFC];
	_ =	sdelay $0x3  }
0x94: {  	_ =	strace s2  }
0x95: {  	s2 =	sld [smem:$0x3FFD];
	_ =	sdelay $0x3  }
0x96: {  	_ =	strace s2  }
0x97: {  	_ =	strace $0x8FFFFFFF  }
0x98: {  	s18 =	sld [smem:$0x3FDB];
	_ =	sdelay $0x1  }
0x99: {  	s19 =	simm.s32 $_scs_section_size  }
0x9a: {  	s4 =	simm.s32 $_size__tile_overlayer_lowered;
	s5 =	simm.s32 $_tile_overlayer_lowered  }
0x9b: {  	s22 =	simm.s32 $0x1BFF;
	s21 =	sshll.u32 s5, $0x1;
	s2 =	sadd.s32 s19, s18  }
0x9c: {  	s6 =	simm.s32 $0x0;
	s20 =	sshll.u32 s4, $0x1;
	s4 =	sadd.s32 s21, s2  }
0x9d: {  	[timem:s6], [sflag:s22] =	dma.local [hbm:s4], s20  }
0x9e: {  	_ =	swait.ge [sflag:s22], s20  }
0x9f: {  	s3 =	ssub.s32 $0x0, s20;
	[sflag:s22] =	ssyncset.done $0x0  }
0xa0: {  	[sflag:s22] =	ssyncadd.s32 s3;
	_ =	sdelay $0x1  }
0xa1: {  	s23 =	simm.s32 $0x1B8B  }
0xa2: {  	_ =	swait.ge [sflag:s23], $0x1  }
0xa3: {  	[sflag:s23] =	ssyncset.done $0x0  }
0xa4: {  	s25 =	simm.s32 $0x1B8E;
	s24 =	sld [smem:$0x3FFE];
	[sflag:s23] =	ssyncadd.s32 $0xFFFFFFFF  }
0xa5: {  	s26 =	simm.s32 $execute0_lowered;
	[smem:$0x3FD2] =	sst s25  }
0xa6: {  	s4 =	sshll.u32 s26, $0x1;
	_ =	strace $0x80000046;
	[dreg:$0x1] =	wrdreg $0xFFFFFFFF  }
0xa7: {  	s28 =	simm.s32 $_size_execute0_lowered;
	s2 =	sadd.s32 s2, s4;
	[dreg:$0x0] =	wrdreg $0x0  }
0xa8: {  	s4 =	sshll.u32 s28, $0x1;
	[dreg:$0x2] =	wrdreg s2  }
0xa9: {  	[dreg:$0x3] =	wrdreg s4  }
0xaa: {  	[dreg:$0x4] =	wrdreg $0xC0  }
0xab: {  	_ =	task [dreg:s6], $0x5FFFF  }
0xac: {  	[dreg:$0x1] =	wrdreg $0xFFFFFFFF  }
0xad: {  	[dreg:$0x0] =	wrdreg $0x60  }
0xae: {  	[dreg:$0x2] =	wrdreg s24  }
0xaf: {  	[dreg:$0x3] =	wrdreg $0x0  }
0xb0: {  	[dreg:$0x4] =	wrdreg $0x9  }
0xb1: {  	_ =	task.clear_ibuf [dreg:s6], $0x5FFFF;
	_ =	strace $0x90000046  }
0xb2: {  	s29 =	simm.s32 $0x9;
	_ =	strace $0x80000048  }
0xb3: {  	_ =	swait.ge [sflag:s29], $0x1  }
0xb4: {  	[sflag:s29] =	ssyncadd.s32 $0xFFFFFFFF  }
0xb5: {  	_ =	strace $0x90000048  }
0xb6: {  	_ =	sfence  }
0xb7: {  	s30 =	sld [smem:$0x0];
	_ =	sdelay $0x2  }
0xb8: {  	s31 =	sshll.u32 s1, $0xD;
	s1 =	sshrl.u32 s1, $0x2  }
0xb9: {  	s3 =	sand.u32 $0x4000, s31;
	s1 =	sadd.s32 s1, s30  }
0xba: {  	s0 =	sor.u32 s3, s0;
	s1 =	sshll.u32 s1, $0x11  }
0xbb: {  	s0 =	sor.u32 s1, s0  }
0xbc: {  	s0 =	sadd.s32 $0x8F2B, s0  }
0xbd: {  	[sflag:s0] =	ssyncadd.remote.s32 $0x1  }
0xbe: {  	_ =	sfence.sel $0xFFFF  }
0xbf: {  	[dreg:$0x0] =	wrdreg $0xFFFFFFFF;
	(pc) =	sbr.abs _section_cstart, $3  }
0xc0: {  	[dreg:$0x1] =	wrdreg $0xFFFFFFFF  }
0xc1: {  	_ =	task.clear_ibuf [dreg:s6], $0x2FFFF;
	_ =	strace $0x9FFFFFFF  }
0xc2: {  	(tm) =	ssettm $0x7FFFFFFF  }
0xc3: {  	_ =	shalt  }
tec
execute0_lowered:
.L_overlay_start_1:
0x0: {  	(tag) =	ssettag $0x1  }
0x1: {  	s4 =	rddreg [dreg:$0x0]  }
0x2: {  	s1 =	rddreg [dreg:$0x1]  }
0x3: {  	s0 =	rddreg [dreg:$0x2];
	s2 =	simm.s32 $0x0;
	s3 =	srdreg.scid  }
0x4: {  	s14 =	stileid.u32;
	s17 =	simm.s32 $0x1;
	s18 =	simm.s32 $0x400  }
0x5: {  	s19 =	simm.s32 $0x830;
	s20 =	simm.s32 $0x3;
	s21 =	simm.s32 $0x2  }
0x6: {  	s22 =	simm.s32 $0x8830;
	s23 =	simm.s32 $0x4;
	s24 =	simm.s32 $0x5  }
0x7: {  	s25 =	simm.s32 $0x0;
	[smem:$0x7FF] =	sst s2;
	s13 =	sadd.s32 $0x600, s4  }
0x8: {  	s11 =	sand.u32 $0x1, s3;
	s6 =	sshll.u32 s14, $0x11;
	s3 =	sadd.s32 $0x400, s4  }
0x9: {  	s15 =	sadd.s32 $0x40600, s4;
	s16 =	sshll.u32 s14, $0x13;
	p0 =	sne.s32 s14, $0x0  }
0xa: {  	_ =	strace $0x80000047;
	s5 =	ssub.s32 $0x2, s11;
	s7 =	sshll.u32 s11, $0x10  }
0xb: {  	s11 =	sshll.u32 s11, $0x12;
	s8 =	sshrl.u32 s5, $0x1;
	s12 =	sor.u32 s7, s6  }
0xc: {  	s14 =	sshrl.u32 @!p0 s1, $0x3;
	s26 =	ssub.s32 s5, s8;
	s28 =	sshrl.u32 s12, $0x3  }
0xd: {  	s6 =	sshll.u32 s12, $0x2;
	s29 =	sor.u32 $0x800, s12;
	s10 =	sor.u32 $0xC00, s12  }
0xe: {  	s30 =	sor.u32 $0x1400, s12;
	s12 =	sor.u32 $0x1000, s12;
	s4 =	sadd.s32 s13, s28  }
0xf: {  	s6 =	sadd.s32 s15, s6;
	s8 =	sshrl.u32 s29, $0x3;
	s7 =	smax.u32 s26, $0x1  }
.Ltmp0:
0x10: {  	s10 =	sshrl.u32 s10, $0x3;
	s15 =	sadd.s32 s16, s15;
	(pc) =	sbr.rel .LBB2_1-.Ltmp0, $4  }
0x11: {  	s31 =	sshrl.u32 s12, $0x3;
	s16 =	simm.s32 $0x430;
	s5 =	sadd.s32 $0x80, s4  }
0x12: {  	s8 =	sadd.s32 s13, s8;
	s9 =	sadd.s32 $0x1000, s6;
	s11 =	sadd.s32 s11, s15  }
0x13: {  	s10 =	sadd.s32 s13, s10;
	s15 =	sshrl.u32 s30, $0x3;
	s11 =	sadd.s32 $0x2000, s11  }
0x14: {  	s12 =	sadd.s32 s15, s13;
	s13 =	sadd.s32 s31, s13;
	s15 =	simm.s32 $0x30  }
.LBB2_4:
0x15: {  	s25 =	sadd.s32 $0x1, s25  }
0x16: {  	_ =	swait.ge [sflag:s23], $0x8000;
	p1 =	sne.s32 s25, s7  }
.Ltmp1:
0x17: {  	[sflag:s23] =	ssyncset.done $0x0;
	(pc) =	sbr.rel @!p1 .LBB2_5-.Ltmp1, $4  }
0x18: {  	[sflag:s23] =	ssyncadd.s32 $0xFFFF8000  }
0x19: {  	_ =	swait.ge [sflag:s24], $0x8000  }
0x1a: {  	[sflag:s24] =	ssyncset.done $0x0  }
0x1b: {  	[sflag:s24] =	ssyncadd.s32 $0xFFFF8000  }
.LBB2_1:
0x1c: {  	s26 =	simm.s32 @!p0 $0x1C06  }
0x1d: {  	[spmem:s14], [sflag:s26] =	dma.local @!p0 [hbm:s3], $0x54  }
0x1e: {  	s26 =	simm.s32 @!p0 $0x6  }
0x1f: {  	_ =	swait.ge @!p0 [sflag:s26], $0x54  }
0x20: {  	[sflag:s26] =	ssyncset.done @!p0 $0x0  }
0x21: {  	[sflag:s26] =	ssyncadd.s32 @!p0 $0xFFFFFFAC  }
0x22: {  	[bflag:$0x0] =	sbarrier.arrive $0xFFFF  }
0x23: {  	[tilespmem:s15], [sflag:$0x1] =	stream.linear.gather [hbm4b:s4+s2], $0x400, $0x38;
	[tilespmem:$0x10830] =	vst v63  }
0x24: {  	_ = 	snop  }
0x25: {  	[tilespmem:s16], [sflag:$0x2] =	stream.linear.gather [hbm4b:s5+s2], $0x400, $0x38;
	[tilespmem:$0x10830] =	vst v63  }
0x26: {  	_ =	swait.ge [sflag:s17], $0x400  }
0x27: {  	[sflag:s17] =	ssyncset.done $0x0  }
0x28: {  	[sflag:s17] =	ssyncadd.s32 $0xFFFFFC00  }
0x29: {  	[tilespmem:s19], [sflag:$0x3] =	stream.indirect.gather [spmem:s1], $0x20, s15, s18, $0xb8;
	[tilespmem:$0x10830] =	vst v63  }
0x2a: {  	_ =	swait.ge [sflag:s20], $0x8000  }
0x2b: {  	[sflag:s20] =	ssyncset.done $0x0  }
0x2c: {  	[sflag:s20] =	ssyncadd.s32 $0xFFFF8000  }
0x2d: {  	[hbm4b:s6+s2] =	stream.linear.scatter [tilespmem:s19], [sflag:$0x4], $0x8000, $0x38;
	[tilespmem:$0x10830] =	vst v63  }
0x2e: {  	_ = 	snop  }
0x2f: {  	[tilespmem:s15], [sflag:$0x1] =	stream.linear.gather [hbm4b:s8+s2], $0x400, $0x38;
	[tilespmem:$0x10830] =	vst v63  }
0x30: {  	_ =	swait.ge [sflag:s21], $0x400  }
0x31: {  	[sflag:s21] =	ssyncset.done $0x0  }
0x32: {  	[sflag:s21] =	ssyncadd.s32 $0xFFFFFC00  }
0x33: {  	[tilespmem:s22], [sflag:$0x3] =	stream.indirect.gather [spmem:s1], $0x20, s16, s18, $0xb8;
	[tilespmem:$0x10830] =	vst v63  }
0x34: {  	_ =	swait.ge [sflag:s20], $0x8000  }
0x35: {  	[sflag:s20] =	ssyncset.done $0x0  }
0x36: {  	[sflag:s20] =	ssyncadd.s32 $0xFFFF8000  }
0x37: {  	[hbm4b:s9+s2] =	stream.linear.scatter [tilespmem:s22], [sflag:$0x5], $0x8000, $0x38;
	[tilespmem:$0x10830] =	vst v63  }
0x38: {  	s28 =	smov.u32 s11;
	s26 =	simm.s32 $0x0  }
0x39: {  	[tilespmem:s16], [sflag:$0x2] =	stream.linear.gather [hbm4b:s10+s2], $0x400, $0x38;
	[tilespmem:$0x10830] =	vst v63  }
.LBB2_2:
0x3a: {  	_ =	swait.ge [sflag:s17], $0x400  }
0x3b: {  	[sflag:s17] =	ssyncset.done $0x0  }
0x3c: {  	[sflag:s17] =	ssyncadd.s32 $0xFFFFFC00  }
0x3d: {  	_ =	swait.ge [sflag:s23], $0x8000  }
0x3e: {  	[sflag:s23] =	ssyncset.done $0x0  }
0x3f: {  	[sflag:s23] =	ssyncadd.s32 $0xFFFF8000  }
0x40: {  	[tilespmem:s19], [sflag:$0x3] =	stream.indirect.gather [spmem:s1], $0x20, s15, s18, $0xb8;
	[tilespmem:$0x10830] =	vst v63  }
0x41: {  	_ =	swait.ge [sflag:s20], $0x8000  }
0x42: {  	[sflag:s20] =	ssyncset.done $0x0  }
0x43: {  	p1 =	seq.s32 s26, $0x1E00;
	[sflag:s20] =	ssyncadd.s32 $0xFFFF8000  }
0x44: {  	[hbm4b:s28+s2] =	stream.linear.scatter [tilespmem:s19], [sflag:$0x4], $0x8000, $0x38;
	[tilespmem:$0x10830] =	vst v63  }
0x45: {  	s29 =	sadd.s32 @!p1 s26, s13;
	s30 =	simm.s32 @!p1 $0x0;
	s31 =	simm.s32 @!p1 $0x30  }
0x46: {  	[tilespmem:s31], [sflag:$0x1] =	stream.linear.gather @!p1 [hbm4b:s29+s30], $0x400, $0x38;
	[tilespmem:$0x10830] =	vst v63  }
0x47: {  	_ =	swait.ge [sflag:s21], $0x400  }
0x48: {  	[sflag:s21] =	ssyncset.done $0x0  }
0x49: {  	[sflag:s21] =	ssyncadd.s32 $0xFFFFFC00  }
0x4a: {  	_ =	swait.ge [sflag:s24], $0x8000  }
0x4b: {  	[sflag:s24] =	ssyncset.done $0x0  }
0x4c: {  	[sflag:s24] =	ssyncadd.s32 $0xFFFF8000  }
0x4d: {  	[tilespmem:s22], [sflag:$0x3] =	stream.indirect.gather [spmem:s1], $0x20, s16, s18, $0xb8;
	[tilespmem:$0x10830] =	vst v63  }
.Ltmp2:
0x4e: {  	_ = 	snop;
	(pc) =	sbr.rel @p1 .LBB2_4-.Ltmp2, $4  }
0x4f: {  	_ =	swait.ge [sflag:s20], $0x8000  }
0x50: {  	[sflag:s20] =	ssyncset.done $0x0  }
0x51: {  	s31 =	sadd.s32 $0x1000, s28;
	[sflag:s20] =	ssyncadd.s32 $0xFFFF8000  }
0x52: {  	[hbm4b:s31+s2] =	stream.linear.scatter [tilespmem:s22], [sflag:$0x5], $0x8000, $0x38;
	[tilespmem:$0x10830] =	vst v63  }
.Ltmp3:
0x53: {  	(pc) =	sbr.rel .LBB2_2-.Ltmp3, $3  }
0x54: {  	_ =	sdelay $0x1  }
0x55: {  	s29 =	sadd.s32 s26, s12;
	s28 =	sadd.s32 $0x2000, s28;
	s26 =	sadd.s32 $0x100, s26  }
0x56: {  	[tilespmem:s16], [sflag:$0x2] =	stream.linear.gather [hbm4b:s29+s2], $0x400, $0x38;
	[tilespmem:$0x10830] =	vst v63  }
.LBB2_5:
0x57: {  	_ =	sfence.sel $0x180000  }
0x58: {  	[bflag:$0x0] =	sbarrier.arrive $0xFFFF  }
0x59: {  	_ =	strace $0x90000047  }
0x5a: {  	s0 =	sadd.s32 @!p0 $0x100000, s0;
	[bflag:$0x2] =	sbarrier.arrive $0xFFFF  }
0x5b: {  	[sflag:s0] =	ssyncadd.tile.s32 @!p0 $0x1;
	_ =	shalt  }
.Lfunc_end2:
_tile_overlayer_lowered:
.L_overlay_start_2:
0x5c: {  	(tag) =	ssettag $0x2  }
0x5d: {  	s0 =	rddreg [dreg:$0x0];
	s2 =	stileid.u32  }
0x5e: {  	s1 =	rddreg [dreg:$0x1];
	p0 =	sne.s32 s2, $0x0  }
0x5f: {  	s3 =	rddreg [dreg:$0x2];
	[bflag:$0x3] =	sbarrier.arrive $0xFFFF;
	s2 =	simm.s32 @!p0 $0x1C06  }
0x60: {  	[timem:s3], [sflag:s2] =	dma.local @!p0 [hbm:s0], s1  }
0x61: {  	s0 =	simm.s32 @!p0 $0x6  }
0x62: {  	_ =	swait.ge @!p0 [sflag:s0], s1  }
0x63: {  	s1 =	ssub.s32 @!p0 $0x0, s1;
	[sflag:s0] =	ssyncset.done @!p0 $0x0  }
0x64: {  	[sflag:s0] =	ssyncadd.s32 @!p0 s1  }
0x65: {  	[bflag:$0x3] =	sbarrier.arrive $0xFFFF  }
0x66: {  	_ =	shalt  }

</sc_bundles>
